<compile_context>
chip_gen: v7x
topology: tpu7x:2x2x1
jax: 0.10.2.dev20260603
libtpu: 0.0.44.dev20260713+nightly
codegen_flags: <defaults>
</compile_context>

<pallas_src>
import functools

import jax
import jax.numpy as jnp
from jax import lax
from jax.experimental import pallas as pl
from jax.experimental.pallas import tpu as pltpu
from jax.experimental.pallas import tpu_sc as plsc

N_NODES = 10000
FEATS = 128
N_EDGES = 320000

NC = 2
NS = 16
NW = NC * NS
CHUNK = 128
NCH = -(-N_EDGES // (NW * CHUNK))
E_PAD = NW * NCH * CHUNK
H_ROWS = 10240
ROWS_PER_TILE = H_ROWS // NS


def _sc_body(feat_hbm, src_hbm, dst_hbm, zero_hbm, out_hbm,
             h_sh, src_v, dst_v, gbuf, sem):
    cid = lax.axis_index("c")
    sid = lax.axis_index("s")
    wid = cid * NS + sid

    base = pl.multiple_of(sid * ROWS_PER_TILE, 8)
    pltpu.sync_copy(zero_hbm, h_sh.at[pl.ds(base, ROWS_PER_TILE)])

    pltpu.sync_copy(src_hbm.at[wid], src_v)
    pltpu.sync_copy(dst_hbm.at[wid], dst_v)
    plsc.subcore_barrier()

    def step(j, carry):
        pltpu.async_copy(feat_hbm.at[src_v.at[j]], gbuf, sem).wait()
        pltpu.sync_copy(gbuf, h_sh.at[dst_v.at[j]], add=True)
        return carry
    lax.fori_loop(0, NCH, step, 0)
    plsc.subcore_barrier()

    pltpu.sync_copy(h_sh.at[pl.ds(base, ROWS_PER_TILE)],
                    out_hbm.at[cid].at[pl.ds(base, ROWS_PER_TILE)])


def _sc_partials(feature, src, dst):
    mesh = plsc.VectorSubcoreMesh(core_axis_name="c", subcore_axis_name="s")
    f = functools.partial(
        pl.kernel,
        out_type=jax.ShapeDtypeStruct((NC, H_ROWS, FEATS), jnp.float32),
        mesh=mesh,
        scratch_types=[
            pltpu.VMEM_SHARED((H_ROWS, FEATS), jnp.float32),
            pltpu.VMEM((NCH, CHUNK), jnp.int32),
            pltpu.VMEM((NCH, CHUNK), jnp.int32),
            pltpu.VMEM((CHUNK, FEATS), jnp.float32),
            pltpu.SemaphoreType.DMA,
        ],
    )(_sc_body)
    zero = jnp.zeros((ROWS_PER_TILE, FEATS), jnp.float32)
    return f(feature, src, dst, zero)


def _tc_body(p_ref, w_ref, b_ref, o_ref):
    h = p_ref[0] + p_ref[1]
    o_ref[...] = (
        lax.dot_general(h, w_ref[...], (((1,), (1,)), ((), ())),
                        preferred_element_type=jnp.float32)
        + b_ref[...]
    )


def _linear(partials, W, b2d):
    blk = 1000
    return pl.pallas_call(
        _tc_body,
        grid=(N_NODES // blk,),
        in_specs=[
            pl.BlockSpec((NC, blk, FEATS), lambda i: (0, i, 0)),
            pl.BlockSpec((FEATS, FEATS), lambda i: (0, 0)),
            pl.BlockSpec((1, FEATS), lambda i: (0, 0)),
        ],
        out_specs=pl.BlockSpec((blk, FEATS), lambda i: (i, 0)),
        out_shape=jax.ShapeDtypeStruct((N_NODES, FEATS), jnp.float32),
    )(partials, W, b2d)


def kernel(feature, edge_index, W, b):
    src = edge_index[0].astype(jnp.int32)
    dst = edge_index[1].astype(jnp.int32)
    pad = E_PAD - N_EDGES
    src = jnp.concatenate([src, jnp.zeros((pad,), jnp.int32)])
    dst = jnp.concatenate([dst, jnp.full((pad,), N_NODES, jnp.int32)])
    src = src.reshape(NW, NCH, CHUNK)
    dst = dst.reshape(NW, NCH, CHUNK)
    partials = _sc_partials(feature, src, dst)
    return _linear(partials, W, b.reshape(1, FEATS))

# --- scband reference (transcript-rebuilt; emitter-appended) ---
"""Pipeline reference for scband-graph-convolution-53446573031870 (READ-ONLY COPY).

The authoritative reference and input builder live on the scoring server;
editing this copy changes nothing except your own understanding.
"""

import jax, jax.numpy as jnp
import numpy as np

N_NODES = 10000
IN_FEATS = 128
OUT_FEATS = 128
N_EDGES = 320000

def setup_inputs(seed: int = 0) -> dict:
    key = jax.random.key(seed)
    k1, k2, k3, k4 = jax.random.split(key, 4)
    feature = jax.random.normal(k1, (N_NODES, IN_FEATS), dtype=jnp.float32)
    edge_index = jax.random.randint(k2, (2, N_EDGES), 0, N_NODES, dtype=jnp.int64)
    # Linear layer params (torch.nn.Linear: W [out, in], b [out])
    bound = 1.0 / np.sqrt(IN_FEATS)
    W = jax.random.uniform(k3, (OUT_FEATS, IN_FEATS), dtype=jnp.float32, minval=-bound, maxval=bound)
    b = jax.random.uniform(k4, (OUT_FEATS,), dtype=jnp.float32, minval=-bound, maxval=bound)
    return {"feature": feature, "edge_index": edge_index, "W": W, "b": b}

def reference(feature, edge_index, W, b):
    # DGL update_all(copy_u('h','m'), sum('m','h')):
    # for each edge (src, dst): message = feature[src]; h[dst] = sum of messages
    src = edge_index[0]
    dst = edge_index[1]
    messages = jnp.take(feature, src, axis=0)  # gather source node features
    h = jax.ops.segment_sum(messages, dst, num_segments=N_NODES)  # scatter-add to dst
    # linear layer
    out = h @ W.T + b
    return out

if __name__ == "__main__":
    import jax
    _d = setup_inputs()
    print(jax.jit(kernel)(*tuple(_d.values())))

</pallas_src>

<mosaic_0001>
#map = affine_map<(d0, d1) -> (0, 0)>
#map1 = affine_map<(d0, d1) -> (0, 0, 0)>
module attributes {stable_mosaic.version = 14 : i64} {
  func.func @_sc_body(%arg0: i32, %arg1: i32, %arg2: memref<10000x128xf32, #tpu.memory_space<hbm>>, %arg3: memref<32x79x128xi32, #tpu.memory_space<hbm>>, %arg4: memref<32x79x128xi32, #tpu.memory_space<hbm>>, %arg5: memref<640x128xf32, #tpu.memory_space<hbm>>, %arg6: memref<2x10240x128xf32, #tpu.memory_space<hbm>>, %arg7: memref<10240x128xf32, #tpu.memory_space<vmem_shared>>, %arg8: memref<79x128xi32, #tpu.memory_space<vmem>>, %arg9: memref<79x128xi32, #tpu.memory_space<vmem>>, %arg10: memref<128x128xf32, #tpu.memory_space<vmem>>, %arg11: memref<!tpu.dma_semaphore, #tpu.memory_space<semaphore_mem>>) attributes {dimension_semantics = [#tpu.dimension_semantics<core_parallel>, #tpu.dimension_semantics<subcore_parallel>], iteration_bounds = array<i64: 2, 16>, scalar_prefetch = 0 : i64, scratch_operands = 5 : i64, tpu.core_type = #tpu.core_type<sc_vector_subcore>, window_params = [{transform_indices = #map}, {transform_indices = #map1}, {transform_indices = #map1}, {transform_indices = #map}, {transform_indices = #map1}]} {
    %mul3A = arith.constant 16 : i32
    %mul3A_0 = arith.muli %arg0, %mul3A : i32
    %add3A = arith.addi %mul3A_0, %arg1 : i32
    %mul3A_1 = arith.constant 640 : i32
    %mul3A_2 = arith.muli %arg1, %mul3A_1 : i32
    %multiple_of3A = tpu.assume_multiple %mul3A_2, 8 : i32
    "tpu.region"() ({
      %run_scoped3A = tpu.sem_alloc : memref<!tpu.dma_semaphore, #tpu.memory_space<semaphore_mem>>
      %dma_start3A = arith.constant 0 : i32
      %dma_start3A_9 = tpu.memref_slice %arg7[%multiple_of3A, %dma_start3A] : memref<10240x128xf32, #tpu.memory_space<vmem_shared>> -> memref<640x128xf32, #tpu.memory_space<vmem_shared>>
      tpu.enqueue_dma source(%arg5 : memref<640x128xf32, #tpu.memory_space<hbm>>) target(%dma_start3A_9 : memref<640x128xf32, #tpu.memory_space<vmem_shared>>) target_semaphore(%run_scoped3A : memref<!tpu.dma_semaphore, #tpu.memory_space<semaphore_mem>>)
      %dma_wait3A = arith.constant 0 : i32
      %dma_wait3A_10 = tpu.memref_slice %arg7[%multiple_of3A, %dma_wait3A] : memref<10240x128xf32, #tpu.memory_space<vmem_shared>> -> memref<640x128xf32, #tpu.memory_space<vmem_shared>>
      tpu.wait_dma2 semaphore(%run_scoped3A : memref<!tpu.dma_semaphore, #tpu.memory_space<semaphore_mem>>) src(%arg5 : memref<640x128xf32, #tpu.memory_space<hbm>>) dst(%dma_wait3A_10 : memref<640x128xf32, #tpu.memory_space<vmem_shared>>)
      tpu.yield
    }) : () -> ()
    "tpu.region"() ({
      %run_scoped3A = tpu.sem_alloc : memref<!tpu.dma_semaphore, #tpu.memory_space<semaphore_mem>>
      %dma_start3A = arith.constant 0 : i32
      %dma_start3A_9 = arith.constant 0 : i32
      %dma_start3A_10 = tpu.memref_slice %arg3[%add3A, %dma_start3A, %dma_start3A_9] : memref<32x79x128xi32, #tpu.memory_space<hbm>> -> memref<1x79x128xi32, #tpu.memory_space<hbm>>
      %dma_start3A_11 = tpu.memref_squeeze %dma_start3A_10 : memref<1x79x128xi32, #tpu.memory_space<hbm>> -> memref<79x128xi32, #tpu.memory_space<hbm>>
      %dma_start3A_12 = arith.constant 0 : i32
      %dma_start3A_13 = arith.constant 0 : i32
      %dma_start3A_14 = tpu.memref_slice %arg3[%add3A, %dma_start3A_12, %dma_start3A_13] : memref<32x79x128xi32, #tpu.memory_space<hbm>> -> memref<1x79x128xi32, #tpu.memory_space<hbm>>
      %dma_start3A_15 = tpu.memref_squeeze %dma_start3A_14 : memref<1x79x128xi32, #tpu.memory_space<hbm>> -> memref<79x128xi32, #tpu.memory_space<hbm>>
      tpu.enqueue_dma source(%dma_start3A_15 : memref<79x128xi32, #tpu.memory_space<hbm>>) target(%arg8 : memref<79x128xi32, #tpu.memory_space<vmem>>) target_semaphore(%run_scoped3A : memref<!tpu.dma_semaphore, #tpu.memory_space<semaphore_mem>>)
      %dma_wait3A = arith.constant 0 : i32
      %dma_wait3A_16 = arith.constant 0 : i32
      %dma_wait3A_17 = tpu.memref_slice %arg3[%add3A, %dma_wait3A, %dma_wait3A_16] : memref<32x79x128xi32, #tpu.memory_space<hbm>> -> memref<1x79x128xi32, #tpu.memory_space<hbm>>
      %dma_wait3A_18 = tpu.memref_squeeze %dma_wait3A_17 : memref<1x79x128xi32, #tpu.memory_space<hbm>> -> memref<79x128xi32, #tpu.memory_space<hbm>>
      %dma_wait3A_19 = arith.constant 0 : i32
      %dma_wait3A_20 = arith.constant 0 : i32
      %dma_wait3A_21 = tpu.memref_slice %arg3[%add3A, %dma_wait3A_19, %dma_wait3A_20] : memref<32x79x128xi32, #tpu.memory_space<hbm>> -> memref<1x79x128xi32, #tpu.memory_space<hbm>>
      %dma_wait3A_22 = tpu.memref_squeeze %dma_wait3A_21 : memref<1x79x128xi32, #tpu.memory_space<hbm>> -> memref<79x128xi32, #tpu.memory_space<hbm>>
      tpu.wait_dma2 semaphore(%run_scoped3A : memref<!tpu.dma_semaphore, #tpu.memory_space<semaphore_mem>>) src(%dma_wait3A_22 : memref<79x128xi32, #tpu.memory_space<hbm>>) dst(%arg8 : memref<79x128xi32, #tpu.memory_space<vmem>>)
      tpu.yield
    }) : () -> ()
    "tpu.region"() ({
      %run_scoped3A = tpu.sem_alloc : memref<!tpu.dma_semaphore, #tpu.memory_space<semaphore_mem>>
      %dma_start3A = arith.constant 0 : i32
      %dma_start3A_9 = arith.constant 0 : i32
      %dma_start3A_10 = tpu.memref_slice %arg4[%add3A, %dma_start3A, %dma_start3A_9] : memref<32x79x128xi32, #tpu.memory_space<hbm>> -> memref<1x79x128xi32, #tpu.memory_space<hbm>>
      %dma_start3A_11 = tpu.memref_squeeze %dma_start3A_10 : memref<1x79x128xi32, #tpu.memory_space<hbm>> -> memref<79x128xi32, #tpu.memory_space<hbm>>
      %dma_start3A_12 = arith.constant 0 : i32
      %dma_start3A_13 = arith.constant 0 : i32
      %dma_start3A_14 = tpu.memref_slice %arg4[%add3A, %dma_start3A_12, %dma_start3A_13] : memref<32x79x128xi32, #tpu.memory_space<hbm>> -> memref<1x79x128xi32, #tpu.memory_space<hbm>>
      %dma_start3A_15 = tpu.memref_squeeze %dma_start3A_14 : memref<1x79x128xi32, #tpu.memory_space<hbm>> -> memref<79x128xi32, #tpu.memory_space<hbm>>
      tpu.enqueue_dma source(%dma_start3A_15 : memref<79x128xi32, #tpu.memory_space<hbm>>) target(%arg9 : memref<79x128xi32, #tpu.memory_space<vmem>>) target_semaphore(%run_scoped3A : memref<!tpu.dma_semaphore, #tpu.memory_space<semaphore_mem>>)
      %dma_wait3A = arith.constant 0 : i32
      %dma_wait3A_16 = arith.constant 0 : i32
      %dma_wait3A_17 = tpu.memref_slice %arg4[%add3A, %dma_wait3A, %dma_wait3A_16] : memref<32x79x128xi32, #tpu.memory_space<hbm>> -> memref<1x79x128xi32, #tpu.memory_space<hbm>>
      %dma_wait3A_18 = tpu.memref_squeeze %dma_wait3A_17 : memref<1x79x128xi32, #tpu.memory_space<hbm>> -> memref<79x128xi32, #tpu.memory_space<hbm>>
      %dma_wait3A_19 = arith.constant 0 : i32
      %dma_wait3A_20 = arith.constant 0 : i32
      %dma_wait3A_21 = tpu.memref_slice %arg4[%add3A, %dma_wait3A_19, %dma_wait3A_20] : memref<32x79x128xi32, #tpu.memory_space<hbm>> -> memref<1x79x128xi32, #tpu.memory_space<hbm>>
      %dma_wait3A_22 = tpu.memref_squeeze %dma_wait3A_21 : memref<1x79x128xi32, #tpu.memory_space<hbm>> -> memref<79x128xi32, #tpu.memory_space<hbm>>
      tpu.wait_dma2 semaphore(%run_scoped3A : memref<!tpu.dma_semaphore, #tpu.memory_space<semaphore_mem>>) src(%dma_wait3A_22 : memref<79x128xi32, #tpu.memory_space<hbm>>) dst(%arg9 : memref<79x128xi32, #tpu.memory_space<vmem>>)
      tpu.yield
    }) : () -> ()
    %barrier3A = arith.constant 0 : index
    tpu.barrier barrier_id(%barrier3A)
    %scan3A = arith.constant 0 : i32
    %scan3A_3 = arith.constant 0 : i32
    %scan3A_4 = arith.constant 79 : i32
    %scan3A_5 = arith.addi %scan3A_3, %scan3A_4 : i32
    %scan3A_6 = arith.constant 1 : i32
    scf.for %scan3A_9 = %scan3A_3 to %scan3A_5 step %scan3A_6  : i32 {
      %dma_start3A = arith.constant 0 : i32
      %dma_start3A_10 = tpu.memref_slice %arg8[%scan3A_9, %dma_start3A] : memref<79x128xi32, #tpu.memory_space<vmem>> -> memref<1x128xi32, #tpu.memory_space<vmem>>
      %dma_start3A_11 = tpu.memref_squeeze %dma_start3A_10 : memref<1x128xi32, #tpu.memory_space<vmem>> -> memref<128xi32, #tpu.memory_space<vmem>>
      %dma_start3A_12 = arith.constant 0 : i32
      %dma_start3A_13 = arith.constant 0 : i32
      %dma_start3A_14 = tpu.memref_slice %arg2[%dma_start3A_12, %dma_start3A_13] : memref<10000x128xf32, #tpu.memory_space<hbm>> -> memref<10000x128xf32, #tpu.memory_space<hbm>>
      tpu.enqueue_indirect_dma source(%dma_start3A_14 : memref<10000x128xf32, #tpu.memory_space<hbm>>) target(%arg10 : memref<128x128xf32, #tpu.memory_space<vmem>>) offsets(%dma_start3A_11 : memref<128xi32, #tpu.memory_space<vmem>>) semaphore(%arg11 : memref<!tpu.dma_semaphore, #tpu.memory_space<semaphore_mem>>)
      %dma_wait3A = arith.constant 0 : i32
      %dma_wait3A_15 = tpu.memref_slice %arg8[%scan3A_9, %dma_wait3A] : memref<79x128xi32, #tpu.memory_space<vmem>> -> memref<1x128xi32, #tpu.memory_space<vmem>>
      %dma_wait3A_16 = tpu.memref_squeeze %dma_wait3A_15 : memref<1x128xi32, #tpu.memory_space<vmem>> -> memref<128xi32, #tpu.memory_space<vmem>>
      %dma_wait3A_17 = arith.constant 0 : i32
      %dma_wait3A_18 = arith.constant 0 : i32
      %dma_wait3A_19 = tpu.memref_slice %arg2[%dma_wait3A_17, %dma_wait3A_18] : memref<10000x128xf32, #tpu.memory_space<hbm>> -> memref<10000x128xf32, #tpu.memory_space<hbm>>
      tpu.wait_indirect_dma semaphore(%arg11 : memref<!tpu.dma_semaphore, #tpu.memory_space<semaphore_mem>>) src(%dma_wait3A_19 : memref<10000x128xf32, #tpu.memory_space<hbm>>) dst(%arg10 : memref<128x128xf32, #tpu.memory_space<vmem>>)
      "tpu.region"() ({
        %run_scoped3A = tpu.sem_alloc : memref<!tpu.dma_semaphore, #tpu.memory_space<semaphore_mem>>
        %dma_start3A_20 = arith.constant 0 : i32
        %dma_start3A_21 = tpu.memref_slice %arg9[%scan3A_9, %dma_start3A_20] : memref<79x128xi32, #tpu.memory_space<vmem>> -> memref<1x128xi32, #tpu.memory_space<vmem>>
        %dma_start3A_22 = tpu.memref_squeeze %dma_start3A_21 : memref<1x128xi32, #tpu.memory_space<vmem>> -> memref<128xi32, #tpu.memory_space<vmem>>
        %dma_start3A_23 = arith.constant 0 : i32
        %dma_start3A_24 = arith.constant 0 : i32
        %dma_start3A_25 = tpu.memref_slice %arg7[%dma_start3A_23, %dma_start3A_24] : memref<10240x128xf32, #tpu.memory_space<vmem_shared>> -> memref<10240x128xf32, #tpu.memory_space<vmem_shared>>
        tpu.enqueue_indirect_dma source(%arg10 : memref<128x128xf32, #tpu.memory_space<vmem>>) target(%dma_start3A_25 : memref<10240x128xf32, #tpu.memory_space<vmem_shared>>) offsets(%dma_start3A_22 : memref<128xi32, #tpu.memory_space<vmem>>) semaphore(%run_scoped3A : memref<!tpu.dma_semaphore, #tpu.memory_space<semaphore_mem>>) {add = true}
        %dma_wait3A_26 = arith.constant 0 : i32
        %dma_wait3A_27 = tpu.memref_slice %arg9[%scan3A_9, %dma_wait3A_26] : memref<79x128xi32, #tpu.memory_space<vmem>> -> memref<1x128xi32, #tpu.memory_space<vmem>>
        %dma_wait3A_28 = tpu.memref_squeeze %dma_wait3A_27 : memref<1x128xi32, #tpu.memory_space<vmem>> -> memref<128xi32, #tpu.memory_space<vmem>>
        %dma_wait3A_29 = arith.constant 0 : i32
        %dma_wait3A_30 = arith.constant 0 : i32
        %dma_wait3A_31 = tpu.memref_slice %arg7[%dma_wait3A_29, %dma_wait3A_30] : memref<10240x128xf32, #tpu.memory_space<vmem_shared>> -> memref<10240x128xf32, #tpu.memory_space<vmem_shared>>
        tpu.wait_indirect_dma semaphore(%run_scoped3A : memref<!tpu.dma_semaphore, #tpu.memory_space<semaphore_mem>>) src(%arg10 : memref<128x128xf32, #tpu.memory_space<vmem>>) dst(%dma_wait3A_31 : memref<10240x128xf32, #tpu.memory_space<vmem_shared>>)
        tpu.yield
      }) : () -> ()
    }
    %scan3A_7 = arith.constant 79 : i32
    %barrier3A_8 = arith.constant 0 : index
    tpu.barrier barrier_id(%barrier3A_8)
    "tpu.region"() ({
      %run_scoped3A = tpu.sem_alloc : memref<!tpu.dma_semaphore, #tpu.memory_space<semaphore_mem>>
      %dma_start3A = arith.constant 0 : i32
      %dma_start3A_9 = arith.constant 0 : i32
      %dma_start3A_10 = tpu.memref_slice %arg6[%arg0, %dma_start3A, %dma_start3A_9] : memref<2x10240x128xf32, #tpu.memory_space<hbm>> -> memref<1x10240x128xf32, #tpu.memory_space<hbm>>
      %dma_start3A_11 = tpu.memref_squeeze %dma_start3A_10 : memref<1x10240x128xf32, #tpu.memory_space<hbm>> -> memref<10240x128xf32, #tpu.memory_space<hbm>>
      %dma_start3A_12 = arith.constant 0 : i32
      %dma_start3A_13 = tpu.memref_slice %dma_start3A_11[%multiple_of3A, %dma_start3A_12] : memref<10240x128xf32, #tpu.memory_space<hbm>> -> memref<640x128xf32, #tpu.memory_space<hbm>>
      %dma_start3A_14 = arith.constant 0 : i32
      %dma_start3A_15 = tpu.memref_slice %arg7[%multiple_of3A, %dma_start3A_14] : memref<10240x128xf32, #tpu.memory_space<vmem_shared>> -> memref<640x128xf32, #tpu.memory_space<vmem_shared>>
      tpu.enqueue_dma source(%dma_start3A_15 : memref<640x128xf32, #tpu.memory_space<vmem_shared>>) target(%dma_start3A_13 : memref<640x128xf32, #tpu.memory_space<hbm>>) target_semaphore(%run_scoped3A : memref<!tpu.dma_semaphore, #tpu.memory_space<semaphore_mem>>)
      %dma_wait3A = arith.constant 0 : i32
      %dma_wait3A_16 = arith.constant 0 : i32
      %dma_wait3A_17 = tpu.memref_slice %arg6[%arg0, %dma_wait3A, %dma_wait3A_16] : memref<2x10240x128xf32, #tpu.memory_space<hbm>> -> memref<1x10240x128xf32, #tpu.memory_space<hbm>>
      %dma_wait3A_18 = tpu.memref_squeeze %dma_wait3A_17 : memref<1x10240x128xf32, #tpu.memory_space<hbm>> -> memref<10240x128xf32, #tpu.memory_space<hbm>>
      %dma_wait3A_19 = arith.constant 0 : i32
      %dma_wait3A_20 = tpu.memref_slice %dma_wait3A_18[%multiple_of3A, %dma_wait3A_19] : memref<10240x128xf32, #tpu.memory_space<hbm>> -> memref<640x128xf32, #tpu.memory_space<hbm>>
      %dma_wait3A_21 = arith.constant 0 : i32
      %dma_wait3A_22 = tpu.memref_slice %arg7[%multiple_of3A, %dma_wait3A_21] : memref<10240x128xf32, #tpu.memory_space<vmem_shared>> -> memref<640x128xf32, #tpu.memory_space<vmem_shared>>
      tpu.wait_dma2 semaphore(%run_scoped3A : memref<!tpu.dma_semaphore, #tpu.memory_space<semaphore_mem>>) src(%dma_wait3A_22 : memref<640x128xf32, #tpu.memory_space<vmem_shared>>) dst(%dma_wait3A_20 : memref<640x128xf32, #tpu.memory_space<hbm>>)
      tpu.yield
    }) : () -> ()
    return
  }
}

module attributes {stable_mosaic.version = 14 : i64} {
  func.func @_tc_body(%arg0: i32, %arg1: memref<2x1000x128xf32, #tpu.memory_space<vmem>>, %arg2: memref<128x128xf32, #tpu.memory_space<vmem>>, %arg3: memref<1x128xf32, #tpu.memory_space<vmem>>, %arg4: memref<1000x128xf32, #tpu.memory_space<vmem>>) attributes {dimension_semantics = [#tpu.dimension_semantics<arbitrary>], iteration_bounds = array<i64: 10>, scalar_prefetch = 0 : i64, scratch_operands = 0 : i64, tpu.core_type = #tpu.core_type<tc>, window_params = [{transform_indices = @transform_0, window_bounds = array<i64: 2, 1000, 128>}, {pipeline_mode = #tpu.pipeline_mode<synchronous>, transform_indices = @transform_1, window_bounds = array<i64: 128, 128>}, {pipeline_mode = #tpu.pipeline_mode<synchronous>, transform_indices = @transform_2, window_bounds = array<i64: 1, 128>}, {transform_indices = @transform_3, window_bounds = array<i64: 1000, 128>}]} {
    %get3A = arith.constant 0 : index
    %get3A_0 = arith.constant 0 : index
    %get3A_1 = arith.constant 0 : index
    %get3A_2 = vector.load %arg1[%get3A, %get3A_0, %get3A_1] : memref<2x1000x128xf32, #tpu.memory_space<vmem>>, vector<1x1000x128xf32>
    %get3A_3 = vector.shape_cast %get3A_2 : vector<1x1000x128xf32> to vector<1000x128xf32>
    %get3A_4 = arith.constant 1 : index
    %get3A_5 = arith.constant 0 : index
    %get3A_6 = arith.constant 0 : index
    %get3A_7 = vector.load %arg1[%get3A_4, %get3A_5, %get3A_6] : memref<2x1000x128xf32, #tpu.memory_space<vmem>>, vector<1x1000x128xf32>
    %get3A_8 = vector.shape_cast %get3A_7 : vector<1x1000x128xf32> to vector<1000x128xf32>
    %add3A = arith.addf %get3A_3, %get3A_8 : vector<1000x128xf32>
    %get3A_9 = arith.constant 0 : index
    %get3A_10 = arith.constant 0 : index
    %get3A_11 = vector.load %arg2[%get3A_9, %get3A_10] : memref<128x128xf32, #tpu.memory_space<vmem>>, vector<128x128xf32>
    %dot_general3A = arith.constant dense<0.000000e+00> : vector<1000x128xf32>
    %dot_general3A_12 = tpu.matmul %add3A, %get3A_11, %dot_general3A {dimension_numbers = #tpu.dot_dimension_numbers<[1], [1], [0], [0], [0, 0, 1, 0], [], []>, transpose_lhs_hint = false} : vector<1000x128xf32>, vector<128x128xf32>, vector<1000x128xf32> -> vector<1000x128xf32>
    %get3A_13 = arith.constant 0 : index
    %get3A_14 = arith.constant 0 : index
    %get3A_15 = vector.load %arg3[%get3A_13, %get3A_14] : memref<1x128xf32, #tpu.memory_space<vmem>>, vector<1x128xf32>
    %add3A_16 = vector.broadcast %get3A_15 : vector<1x128xf32> to vector<1000x128xf32>
    %add3A_17 = arith.addf %dot_general3A_12, %add3A_16 : vector<1000x128xf32>
    %swap3A = arith.constant 0 : index
    %swap3A_18 = arith.constant 0 : index
    %swap3A_19 = vector.load %arg4[%swap3A, %swap3A_18] : memref<1000x128xf32, #tpu.memory_space<vmem>>, vector<1000x128xf32>
    tpu.vector_store %arg4[%swap3A, %swap3A_18], %add3A_17 {strides = array<i32>} : memref<1000x128xf32, #tpu.memory_space<vmem>>, vector<1000x128xf32>,
    return
  }
  func.func @transform_0(%arg0: i32) -> (i32, i32, i32) {
    %c0_i32 = arith.constant 0 : i32
    %c0_i32_0 = arith.constant 0 : i32
    %c0_i32_1 = arith.constant 0 : i32
    return %c0_i32, %arg0, %c0_i32_0 : i32, i32, i32
  }
  func.func @transform_1(%arg0: i32) -> (i32, i32) {
    %c0_i32 = arith.constant 0 : i32
    %c0_i32_0 = arith.constant 0 : i32
    %c0_i32_1 = arith.constant 0 : i32
    return %c0_i32, %c0_i32_0 : i32, i32
  }
  func.func @transform_2(%arg0: i32) -> (i32, i32) {
    %c0_i32 = arith.constant 0 : i32
    %c0_i32_0 = arith.constant 0 : i32
    %c0_i32_1 = arith.constant 0 : i32
    return %c0_i32, %c0_i32_0 : i32, i32
  }
  func.func @transform_3(%arg0: i32) -> (i32, i32) {
    %c0_i32 = arith.constant 0 : i32
    %c0_i32_0 = arith.constant 0 : i32
    return %arg0, %c0_i32 : i32, i32
  }
}

</mosaic_0001>

<sc_bundles>
// kernel: kernel.4.cloned.1.call-start
scs
__scs_entry_jumppad:
0x0: {  	(pc) =	sbr.rel $0x88, $3  }
0x1: {  	(tag) =	ssettag $0x0;
	lr =	simm.s32 $0x1  }
0x2: {  	[smem:$0x3F9D] =	sst lr;
	_ =	strace $0xD0000000  }
0x3: {  	_ = 	snop  }
0x4: {  	_ = 	snop  }
0x5: {  	_ = 	snop  }
0x6: {  	_ = 	snop  }
0x7: {  	_ = 	snop  }
__scs_overlays_trampoline_lowered:
0x8: {  	[smem:$0x3FAC] =	sst s0  }
0x9: {  	[smem:$0x3FAD] =	sst s1  }
0xa: {  	[smem:$0x3FAE] =	sst s2  }
0xb: {  	[smem:$0x3FAF] =	sst s3  }
0xc: {  	[smem:$0x3FB0] =	sst s4  }
0xd: {  	[smem:$0x3FB1] =	sst s5  }
0xe: {  	[smem:$0x3FB2] =	sst s6  }
0xf: {  	[smem:$0x3FB3] =	sst s7  }
0x10: {  	[smem:$0x3FB4] =	sst s8  }
0x11: {  	[smem:$0x3FB5] =	sst s9;
	s0 =	simm.s32 @!p0 $0x0  }
0x12: {  	s1 =	sld [smem:$0x3F9B];
	s0 =	simm.s32 @p0 $0x1  }
0x13: {  	[smem:$0x3FB6] =	sst s0;
	s0 =	simm.s32 @!p1 $0x0  }
0x14: {  	s2 =	sld [smem:$0x3F9A];
	s0 =	simm.s32 @p1 $0x1  }
0x15: {  	[smem:$0x3FB7] =	sst s0;
	s0 =	simm.s32 @!p2 $0x0  }
0x16: {  	s3 =	sld [smem:$0x3FDB];
	s0 =	simm.s32 @p2 $0x1  }
0x17: {  	s4 =	simm.s32 $0x1BF5;
	[smem:$0x3FB9] =	sst s0  }
0x18: {  	s0 =	sld [smem:$0x3F9C];
	_ =	swait.ge [sflag:s4], $0x0  }
0x19: {  	s7 =	sld [smem:$0x3F9D]  }
0x1a: {  	s8 =	sadd.s32 $0xFFFFE003, lr  }
0x1b: {  	s9 =	sadd.s32 $0xFFFFFEF7, lr;
	s5 =	simm.s32 $0xFFFFFFFF;
	p2 =	slt.u32 s8, $0xFFFFF086  }
0x1c: {  	p1 =	slt.u32 s9, $0xF7A;
	s5 =	simm.s32 @!p2 $0x0  }
0x1d: {  	s5 =	simm.s32 @p1 $0x1;
	p0 =	seq.s32 s7, s2  }
0x1e: {  	s7 =	smul.u32 @!p0 $0xF7A, s2;
	p2 =	seq.s32 @!p0 s5, $0x0  }
0x1f: {  	s9 =	smul.u32 $0xF7A, s1;
	s8 =	simm.s32 @!p0 $0x1BF5;
	p2 =	por !p2, p0  }
0x20: {  	[sflag:s8] =	ssyncset.s32 @!p0 $0xFFFFF086;
	s6 =	sadd.s32 @!p0 s3, s7;
	s7 =	simm.s32 @!p0 $0x108  }
0x21: {  	s3 =	sadd.s32 s3, s9;
	s6 =	sadd.s32 @!p0 $0x88, s6;
	s7 =	simm.s32 @p2 $0x1082  }
0x22: {  	[simem:s7], [sflag:s8] =	dma.local @!p0 [hbm:s6], $0xF7A  }
0x23: {  	s9 =	sor.u32 $0xD0000000, s2;
	s6 =	simm.s32 $0x108;
	_ =	swait.ge @!p0 [sflag:s8], $0x0  }
0x24: {  	s3 =	sadd.s32 $0x88, s3;
	s6 =	simm.s32 @!p1 $0x1082;
	[sflag:s4] =	ssyncset.s32 $0xFFFFF086  }
0x25: {  	[simem:s6], [sflag:s4] =	dma.local [hbm:s3], $0xF7A  }
0x26: {  	[smem:$0x3F9D] =	sst s1;
	(tag) =	ssettag s2;
	_ =	strace s9  }
0x27: {  	s1 =	sld [smem:$0x3FAD]  }
0x28: {  	s2 =	sld [smem:$0x3FAE]  }
0x29: {  	s4 =	sld [smem:$0x3FB0]  }
0x2a: {  	p0 =	seq.s32 s5, $0x0;
	s5 =	sld [smem:$0x3FB1]  }
0x2b: {  	s6 =	sld [smem:$0x3FB2]  }
0x2c: {  	s7 =	sld [smem:$0x3FB3]  }
0x2d: {  	s3 =	simm.s32 $0x108;
	s8 =	sld [smem:$0x3FB4]  }
0x2e: {  	s3 =	simm.s32 @!p0 $0x1082;
	s9 =	sld [smem:$0x3FB5]  }
0x2f: {  	lr =	sadd.s32 s0, s3;
	s0 =	sld [smem:$0x3FAC]  }
0x30: {  	s3 =	sld [smem:$0x3FAF]  }
0x31: {  	[smem:$0x3FB8] =	sst s10  }
0x32: {  	s10 =	sld [smem:$0x3FB6];
	_ =	sdelay $0x3  }
0x33: {  	p0 =	seq.s32 s10, $0x1;
	s10 =	sld [smem:$0x3FB8];
	_ =	sdelay $0x3  }
0x34: {  	[smem:$0x3FB8] =	sst s10  }
0x35: {  	s10 =	sld [smem:$0x3FB7];
	_ =	sdelay $0x3  }
0x36: {  	p1 =	seq.s32 s10, $0x1;
	s10 =	sld [smem:$0x3FB8];
	_ =	sdelay $0x3  }
0x37: {  	[smem:$0x3FB8] =	sst s10  }
0x38: {  	s10 =	sld [smem:$0x3FB9]  }
0x39: {  	_ = 	snop;
	(pc) =	sbr.ind lr, $3  }
0x3a: {  	_ = 	snop  }
0x3b: {  	_ = 	snop  }
0x3c: {  	p2 =	seq.s32 s10, $0x1;
	s10 =	sld [smem:$0x3FB8]  }
0x3d: {  	_ =	shalt  }
0x3e: {  	_ =	shalt  }
0x3f: {  	_ =	shalt  }
0x40: {  	_ =	shalt  }
0x41: {  	_ =	shalt  }
0x42: {  	_ =	shalt  }
0x43: {  	_ =	shalt  }
0x44: {  	_ =	shalt  }
0x45: {  	_ =	shalt  }
0x46: {  	_ =	shalt  }
0x47: {  	_ =	shalt  }
0x48: {  	_ =	shalt  }
0x49: {  	_ =	shalt  }
0x4a: {  	_ =	shalt  }
0x4b: {  	_ =	shalt  }
0x4c: {  	_ =	shalt  }
0x4d: {  	_ =	shalt  }
0x4e: {  	_ =	shalt  }
0x4f: {  	_ =	shalt  }
0x50: {  	_ =	shalt  }
0x51: {  	_ =	shalt  }
0x52: {  	_ =	shalt  }
0x53: {  	_ =	shalt  }
0x54: {  	_ =	shalt  }
0x55: {  	_ =	shalt  }
0x56: {  	_ =	shalt  }
0x57: {  	_ =	shalt  }
0x58: {  	_ =	shalt  }
0x59: {  	_ =	shalt  }
0x5a: {  	_ =	shalt  }
0x5b: {  	_ =	shalt  }
0x5c: {  	_ =	shalt  }
0x5d: {  	_ =	shalt  }
0x5e: {  	_ =	shalt  }
0x5f: {  	_ =	shalt  }
0x60: {  	_ =	shalt  }
0x61: {  	_ =	shalt  }
0x62: {  	_ =	shalt  }
0x63: {  	_ =	shalt  }
0x64: {  	_ =	shalt  }
0x65: {  	_ =	shalt  }
0x66: {  	_ =	shalt  }
0x67: {  	_ =	shalt  }
0x68: {  	_ =	shalt  }
0x69: {  	_ =	shalt  }
0x6a: {  	_ =	shalt  }
0x6b: {  	_ =	shalt  }
0x6c: {  	_ =	shalt  }
0x6d: {  	_ =	shalt  }
0x6e: {  	_ =	shalt  }
0x6f: {  	_ =	shalt  }
0x70: {  	_ =	shalt  }
0x71: {  	_ =	shalt  }
0x72: {  	_ =	shalt  }
0x73: {  	_ =	shalt  }
0x74: {  	_ =	shalt  }
0x75: {  	_ =	shalt  }
0x76: {  	_ =	shalt  }
0x77: {  	_ =	shalt  }
0x78: {  	_ =	shalt  }
0x79: {  	_ =	shalt  }
0x7a: {  	_ =	shalt  }
0x7b: {  	_ =	shalt  }
0x7c: {  	_ =	shalt  }
0x7d: {  	_ =	shalt  }
0x7e: {  	_ =	shalt  }
0x7f: {  	_ =	shalt  }
0x80: {  	_ =	shalt  }
0x81: {  	_ =	shalt  }
0x82: {  	_ =	shalt  }
0x83: {  	_ =	shalt  }
0x84: {  	_ =	shalt  }
0x85: {  	_ =	shalt  }
0x86: {  	_ =	shalt  }
0x87: {  	_ =	shalt  }
.Lfunc_end0:
.L_simem_size_0:
called_computation_lowered:
.L_overlay_start_0:
0x88: {  	s2 =	sld [smem:$0x3FD9]  }
0x89: {  	s3 =	sld [smem:$0x3FFE];
	_ =	sdelay $0x1  }
0x8a: {  	s1 =	srdreg.scid  }
0x8b: {  	s0 =	sand.u32 $0x1, s1  }
0x8c: {  	s17 =	sshll.u32 s0, $0xA;
	s2 =	sadd.s32 s3, s2  }
0x8d: {  	s2 =	sadd.s32 s2, s17  }
0x8e: {  	[smem:$0x3FC4] =	sst s2  }
0x8f: {  	_ = 	snop  }
0x90: {  	s2 =	sld [smem:$0x3FC9]  }
0x91: {  	s18 =	sld [smem:$0x3FD0];
	(tm) =	ssettm $0x1  }
0x92: {  	s4 =	sld [smem:$0x3FFB];
	_ =	sdelay $0x3  }
0x93: {  	_ =	strace s4  }
0x94: {  	s4 =	sld [smem:$0x3FFC];
	_ =	sdelay $0x3  }
0x95: {  	_ =	strace s4  }
0x96: {  	s4 =	sld [smem:$0x3FFD];
	_ =	sdelay $0x3  }
0x97: {  	_ =	strace s4  }
0x98: {  	_ =	strace $0x8FFFFFFF  }
0x99: {  	s19 =	sld [smem:$0x3FDB];
	_ =	sdelay $0x1  }
0x9a: {  	s5 =	simm.s32 $_scs_section_size  }
0x9b: {  	s6 =	simm.s32 $_size__tile_overlayer_lowered;
	s7 =	simm.s32 $_tile_overlayer_lowered  }
0x9c: {  	s22 =	simm.s32 $0x1BFF;
	s21 =	sshll.u32 s7, $0x1;
	s4 =	sadd.s32 s5, s19  }
0x9d: {  	s8 =	simm.s32 $0x0;
	s20 =	sshll.u32 s6, $0x1;
	s6 =	sadd.s32 s21, s4  }
0x9e: {  	[timem:s8], [sflag:s22] =	dma.local [hbm:s6], s20  }
0x9f: {  	_ =	swait.ge [sflag:s22], s20  }
0xa0: {  	s5 =	ssub.s32 $0x0, s20;
	[sflag:s22] =	ssyncset.done $0x0  }
0xa1: {  	[sflag:s22] =	ssyncadd.s32 s5;
	_ =	sdelay $0x1  }
0xa2: {  	s23 =	simm.s32 $0x1B8B  }
0xa3: {  	_ =	swait.ge [sflag:s23], $0x1  }
0xa4: {  	[sflag:s23] =	ssyncset.done $0x0  }
0xa5: {  	s25 =	simm.s32 $0x1B8E;
	s24 =	sld [smem:$0x3FFE];
	[sflag:s23] =	ssyncadd.s32 $0xFFFFFFFF  }
0xa6: {  	s26 =	simm.s32 $execute0_lowered;
	[smem:$0x3FD2] =	sst s25  }
0xa7: {  	s6 =	sshll.u32 s26, $0x1;
	_ =	strace $0x80000046;
	[dreg:$0x1] =	wrdreg $0xFFFFFFFF  }
0xa8: {  	s28 =	simm.s32 $_size_execute0_lowered;
	s4 =	sadd.s32 s4, s6;
	[dreg:$0x0] =	wrdreg $0x0  }
0xa9: {  	s6 =	sshll.u32 s28, $0x1;
	[dreg:$0x2] =	wrdreg s4  }
0xaa: {  	[dreg:$0x3] =	wrdreg s6  }
0xab: {  	[dreg:$0x4] =	wrdreg $0xC0  }
0xac: {  	_ =	task [dreg:s8], $0x5FFFF  }
0xad: {  	[dreg:$0x1] =	wrdreg $0xFFFFFFFF  }
0xae: {  	[dreg:$0x0] =	wrdreg $0x60  }
0xaf: {  	[dreg:$0x2] =	wrdreg s2  }
0xb0: {  	[dreg:$0x3] =	wrdreg s18  }
0xb1: {  	[dreg:$0x4] =	wrdreg s24  }
0xb2: {  	[dreg:$0x5] =	wrdreg $0x0  }
0xb3: {  	[dreg:$0x6] =	wrdreg $0x9  }
0xb4: {  	_ =	task.clear_ibuf [dreg:s8], $0x7FFFF;
	_ =	strace $0x90000046  }
0xb5: {  	s29 =	simm.s32 $0x9;
	_ =	strace $0x80000048  }
0xb6: {  	_ =	swait.ge [sflag:s29], $0x1  }
0xb7: {  	[sflag:s29] =	ssyncadd.s32 $0xFFFFFFFF  }
0xb8: {  	_ =	strace $0x90000048  }
0xb9: {  	_ =	sfence  }
0xba: {  	s30 =	sld [smem:$0x0];
	_ =	sdelay $0x2  }
0xbb: {  	s31 =	sshll.u32 s1, $0xD;
	s1 =	sshrl.u32 s1, $0x2  }
0xbc: {  	s3 =	sand.u32 $0x4000, s31;
	s1 =	sadd.s32 s1, s30  }
0xbd: {  	s0 =	sor.u32 s3, s0;
	s1 =	sshll.u32 s1, $0x11  }
0xbe: {  	s0 =	sor.u32 s1, s0  }
0xbf: {  	s0 =	sadd.s32 $0x8F2B, s0  }
0xc0: {  	[sflag:s0] =	ssyncadd.remote.s32 $0x1  }
0xc1: {  	_ =	sfence.sel $0xFFFF  }
0xc2: {  	[dreg:$0x0] =	wrdreg $0xFFFFFFFF;
	(pc) =	sbr.abs _section_cstart, $3  }
0xc3: {  	[dreg:$0x1] =	wrdreg $0xFFFFFFFF  }
0xc4: {  	_ =	task.clear_ibuf [dreg:s8], $0x2FFFF;
	_ =	strace $0x9FFFFFFF  }
0xc5: {  	(tm) =	ssettm $0x7FFFFFFF  }
tec
execute0_lowered:
.L_overlay_start_1:
0x0: {  	(tag) =	ssettag $0x1  }
0x1: {  	s0 =	rddreg [dreg:$0x0]  }
0x2: {  	s7 =	rddreg [dreg:$0x1]  }
0x3: {  	s1 =	srdreg.scid;
	s8 =	rddreg [dreg:$0x2]  }
0x4: {  	s3 =	rddreg [dreg:$0x3];
	s4 =	simm.s32 $0x0;
	s14 =	simm.s32 $0x80  }
0x5: {  	s15 =	simm.s32 $0x19000;
	s6 =	sand.u32 $0x1, s1;
	s1 =	stileid.u32  }
0x6: {  	s16 =	simm.s32 $0x1;
	[smem:$0x7FF] =	sst s4;
	s10 =	smul.u32 $0x28000, s6  }
0x7: {  	s2 =	sshll.u32 s6, $0x4;
	s11 =	smul.u32 $0x50000, s1;
	s6 =	ssub.s32 $0x2, s6  }
0x8: {  	s31 =	sshll.u32 s1, $0x6;
	s18 =	smul.u32 $0x2800, s1;
	s5 =	sor.u32 s1, s2  }
0x9: {  	s2 =	rddreg [dreg:$0x4];
	_ =	strace $0x80000047;
	s30 =	sshrl.u32 s6, $0x1  }
0xa: {  	s9 =	smul.u32 $0x500, s5;
	s5 =	sadd.s32 $0xA200, s8;
	s10 =	sadd.s32 s10, s8  }
0xb: {  	s11 =	sshrl.u32 s11, $0x2;
	s13 =	ssub.s32 s6, s30;
	s6 =	sor.u32 $0x1C02, s31  }
0xc: {  	s11 =	sadd.s32 s11, s3;
	s17 =	sadd.s32 $0xCA00, s10;
	s12 =	sadd.s32 s9, s8  }
0xd: {  	s7 =	sadd.s32 s7, s9;
	s9 =	smax.u32 s13, $0x1;
	s10 =	sshrl.u32 s11, $0x3  }
0xe: {  	s11 =	simm.s32 $0x2;
	s13 =	simm.s32 $0x16800;
	s17 =	sadd.s32 s18, s17  }
0xf: {  	s18 =	simm.s32 $0x0;
	s8 =	sadd.s32 $0x200, s12;
	s12 =	simm.s32 $0x14000  }
.LBB2_1:
0x10: {  	[spmem:s10], [sflag:s6] =	dma.local [hbm:s5], $0x2800  }
0x11: {  	_ =	swait.ge [sflag:s11], $0x2800  }
0x12: {  	[sflag:s11] =	ssyncset.done $0x0  }
0x13: {  	[sflag:s11] =	ssyncadd.s32 $0xFFFFD800  }
0x14: {  	[tilespmem:s12], [sflag:$0x2] =	stream.linear.gather [hbm4b:s7+s4], $0x2780, $0x38;
	[tilespmem:$0x1D000] =	vst v63  }
0x15: {  	_ =	swait.ge [sflag:s11], $0x2780  }
0x16: {  	[sflag:s11] =	ssyncset.done $0x0  }
0x17: {  	[sflag:s11] =	ssyncadd.s32 $0xFFFFD880  }
0x18: {  	[tilespmem:s13], [sflag:$0x2] =	stream.linear.gather [hbm4b:s8+s4], $0x2780, $0x38;
	[tilespmem:$0x1D000] =	vst v63  }
0x19: {  	_ =	swait.ge [sflag:s11], $0x2780  }
0x1a: {  	[sflag:s11] =	ssyncset.done $0x0  }
0x1b: {  	[sflag:s11] =	ssyncadd.s32 $0xFFFFD880  }
0x1c: {  	s19 =	simm.s32 $0x14000;
	[bflag:$0x0] =	sbarrier.arrive $0xFFFF  }
0x1d: {  	[tilespmem:s15], [sflag:$0x1] =	stream.indirect.gather [hbm4b:s0+s14], $0x80, s19, s14, $0xb8;
	[tilespmem:$0x1D000] =	vst v63  }
0x1e: {  	_ =	swait.ge [sflag:s16], $0x4000  }
0x1f: {  	[sflag:s16] =	ssyncset.done $0x0  }
0x20: {  	s31 =	simm.s32 $0x16800;
	[sflag:s16] =	ssyncadd.s32 $0xFFFFC000  }
0x21: {  	[spmem:s3] =	stream.indirect.scatter.add.f32 [tilespmem:s15], [sflag:$0x2], $0x80, s31, s14, $0xb8;
	[tilespmem:$0x1D000] =	vst v63  }
0x22: {  	_ =	swait.ge [sflag:s11], $0x4000  }
0x23: {  	s20 =	simm.s32 $0x400;
	s19 =	simm.s32 $0x80;
	[sflag:s11] =	ssyncset.done $0x0  }
.LBB2_2:
0x24: {  	s21 =	sadd.s32 $0x14000, s19  }
0x25: {  	[sflag:s11] =	ssyncadd.s32 $0xFFFFC000;
	s22 =	smov.u32 s20;
	s23 =	sadd.s32 $0x200, s20  }
0x26: {  	[tilespmem:s15], [sflag:$0x1] =	stream.indirect.gather [hbm4b:s0+s14], $0x80, s21, s14, $0xb8;
	[tilespmem:$0x1D000] =	vst v63  }
0x27: {  	p0 =	sne.s32 s20, $0x9C00;
	_ =	swait.ge [sflag:s16], $0x4000  }
.Ltmp0:
0x28: {  	[sflag:s16] =	ssyncset.done $0x0;
	(pc) =	sbr.rel @p0 .LBB2_2-.Ltmp0, $4  }
0x29: {  	s19 =	sadd.s32 $0x16800, s19;
	[sflag:s16] =	ssyncadd.s32 $0xFFFFC000  }
0x2a: {  	[spmem:s3] =	stream.indirect.scatter.add.f32 [tilespmem:s15], [sflag:$0x2], $0x80, s19, s14, $0xb8;
	[tilespmem:$0x1D000] =	vst v63  }
0x2b: {  	_ =	swait.ge [sflag:s11], $0x4000  }
0x2c: {  	s20 =	smov.u32 s23;
	s19 =	sshra.s32 s22, $0x2;
	[sflag:s11] =	ssyncset.done $0x0  }
0x2d: {  	s20 =	sadd.s32 $0x14000, s19;
	[sflag:s11] =	ssyncadd.s32 $0xFFFFC000  }
0x2e: {  	[tilespmem:s15], [sflag:$0x1] =	stream.indirect.gather [hbm4b:s0+s14], $0x80, s20, s14, $0xb8;
	[tilespmem:$0x1D000] =	vst v63  }
0x2f: {  	_ =	swait.ge [sflag:s16], $0x4000  }
0x30: {  	[sflag:s16] =	ssyncset.done $0x0  }
0x31: {  	s31 =	sadd.s32 $0x16800, s19;
	[sflag:s16] =	ssyncadd.s32 $0xFFFFC000  }
0x32: {  	[spmem:s3] =	stream.indirect.scatter.add.f32 [tilespmem:s15], [sflag:$0x2], $0x80, s31, s14, $0xb8;
	[tilespmem:$0x1D000] =	vst v63  }
0x33: {  	_ =	swait.ge [sflag:s11], $0x4000  }
0x34: {  	s18 =	sadd.s32 $0x1, s18;
	[sflag:s11] =	ssyncset.done $0x0  }
0x35: {  	p0 =	sne.s32 s18, s9;
	[sflag:s11] =	ssyncadd.s32 $0xFFFFC000  }
.Ltmp1:
0x36: {  	[bflag:$0x0] =	sbarrier.arrive $0xFFFF;
	(pc) =	sbr.rel @p0 .LBB2_1-.Ltmp1, $4  }
0x37: {  	[hbm:s17], [sflag:s6] =	dma.local [spmem:s10], $0x2800  }
0x38: {  	_ =	swait.ge [sflag:s11], $0x2800  }
0x39: {  	[sflag:s11] =	ssyncset.done $0x0  }
0x3a: {  	[sflag:s11] =	ssyncadd.s32 $0xFFFFD800  }
0x3b: {  	_ =	sfence.sel $0x180000  }
0x3c: {  	[bflag:$0x0] =	sbarrier.arrive $0xFFFF  }
0x3d: {  	p0 =	sne.s32 s1, $0x0;
	_ =	strace $0x90000047  }
0x3e: {  	s0 =	sadd.s32 @!p0 $0x100000, s2;
	[bflag:$0x2] =	sbarrier.arrive $0xFFFF  }
0x3f: {  	[sflag:s0] =	ssyncadd.tile.s32 @!p0 $0x1;
	_ =	shalt  }
.Lfunc_end2:
_tile_overlayer_lowered:
.L_overlay_start_2:
0x40: {  	(tag) =	ssettag $0x2  }
0x41: {  	s0 =	rddreg [dreg:$0x0];
	s2 =	stileid.u32  }
0x42: {  	s1 =	rddreg [dreg:$0x1];
	p0 =	sne.s32 s2, $0x0  }
0x43: {  	s3 =	rddreg [dreg:$0x2];
	[bflag:$0x3] =	sbarrier.arrive $0xFFFF;
	s2 =	simm.s32 @!p0 $0x1C02  }
0x44: {  	[timem:s3], [sflag:s2] =	dma.local @!p0 [hbm:s0], s1  }
0x45: {  	s0 =	simm.s32 @!p0 $0x2  }
0x46: {  	_ =	swait.ge @!p0 [sflag:s0], s1  }
0x47: {  	s1 =	ssub.s32 @!p0 $0x0, s1;
	[sflag:s0] =	ssyncset.done @!p0 $0x0  }
0x48: {  	[sflag:s0] =	ssyncadd.s32 @!p0 s1  }
0x49: {  	[bflag:$0x3] =	sbarrier.arrive $0xFFFF  }
0x4a: {  	_ =	shalt  }

</sc_bundles>
